<compile_context>
chip_gen: v7x
topology: tpu7x:2x2x1
jax: 0.10.2.dev20260603
libtpu: 0.0.44.dev20260713+nightly
codegen_flags: <defaults>
</compile_context>

<pallas_src>
import functools

import jax
import jax.numpy as jnp
from jax import lax
from jax.experimental import pallas as pl
from jax.experimental.pallas import tpu as pltpu
from jax.experimental.pallas import tpu_sc as plsc

_B, _H, _S, _D = 8, 16, 2048, 128
_Q = 32
_BH = _B * _H
_R = _BH * _Q
_NC, _NS = 2, 16
_NW = _NC * _NS
_RPW = _R // _NW
_BHPW = _BH // _NW


@functools.partial(
    pl.kernel,
    out_type=(),
    mesh=plsc.VectorSubcoreMesh(core_axis_name="c", subcore_axis_name="s"),
    scratch_types=[
        pltpu.VMEM((_Q,), jnp.int32),
        pltpu.VMEM((_RPW,), jnp.int32),
        pltpu.VMEM((_RPW, _D), jnp.float32),
        pltpu.VMEM((_RPW, _D), jnp.float32),
        pltpu.SemaphoreType.DMA,
        pltpu.SemaphoreType.DMA,
    ],
)
def _scatter_rows(pos_hbm, kv_hbm, vv_hbm, ko_ref, vo_ref,
                  pos_v, idx_v, krows_v, vrows_v, ksem, vsem):
    wid = lax.axis_index("s") * _NC + lax.axis_index("c")
    base = wid * _RPW
    kcopy = pltpu.async_copy(kv_hbm.at[pl.ds(base, _RPW)], krows_v, ksem)
    vcopy = pltpu.async_copy(vv_hbm.at[pl.ds(base, _RPW)], vrows_v, vsem)
    pltpu.sync_copy(pos_hbm, pos_v)
    for i in range(_RPW // 16):
        q0 = (i % (_Q // 16)) * 16
        bh = wid * _BHPW + i // (_Q // 16)
        idx_v[pl.ds(i * 16, 16)] = pos_v[pl.ds(q0, 16)] + bh * _S
    kcopy.wait()
    kscat = pltpu.async_copy(krows_v, ko_ref.at[idx_v], ksem)
    vcopy.wait()
    vscat = pltpu.async_copy(vrows_v, vo_ref.at[idx_v], vsem)
    kscat.wait()
    vscat.wait()


def kernel(input_pos, k_val, v_val, k_cache, v_cache):
    pos = input_pos.astype(jnp.int32)
    kv = k_val.reshape(_R, _D)
    vv = v_val.reshape(_R, _D)
    ko = jax.new_ref(k_cache.reshape(_BH * _S, _D))
    vo = jax.new_ref(v_cache.reshape(_BH * _S, _D))
    _scatter_rows(pos, kv, vv, ko, vo)
    return (ko[...].reshape(_B, _H, _S, _D),
            vo[...].reshape(_B, _H, _S, _D))

# --- scband reference (transcript-rebuilt; emitter-appended) ---
"""Pipeline reference for scband-kvcache-25804163515049 (READ-ONLY COPY).

The authoritative reference and input builder live on the scoring server;
editing this copy changes nothing except your own understanding.
"""

import jax, jax.numpy as jnp
import numpy as np

B, H, S_MAX, D = 8, 16, 2048, 128
Q = 32

def setup_inputs(seed: int = 0) -> dict:
    key = jax.random.key(seed)
    k1, k2 = jax.random.split(key)
    input_pos = jnp.arange(Q, dtype=jnp.int64) if jax.config.jax_enable_x64 else jnp.arange(Q, dtype=jnp.int32)
    k_val = jax.random.normal(k1, (B, H, Q, D), dtype=jnp.float32)
    v_val = jax.random.normal(k2, (B, H, Q, D), dtype=jnp.float32)
    k_cache = jnp.zeros((B, H, S_MAX, D), dtype=jnp.float32)
    v_cache = jnp.zeros((B, H, S_MAX, D), dtype=jnp.float32)
    return {"input_pos": input_pos, "k_val": k_val, "v_val": v_val, "k_cache": k_cache, "v_cache": v_cache}

def reference(input_pos, k_val, v_val, k_cache, v_cache):
    # input_pos.shape[0] == k_val.shape[2] -> per-position scatter-overwrite branch
    k_out = k_cache.at[:, :, input_pos].set(k_val)
    v_out = v_cache.at[:, :, input_pos].set(v_val)
    return (k_out, v_out)

if __name__ == "__main__":
    import jax
    _d = setup_inputs()
    print(jax.jit(kernel)(*tuple(_d.values())))

</pallas_src>

<mosaic_0001>
#map = affine_map<(d0, d1) -> (0)>
#map1 = affine_map<(d0, d1) -> (0, 0)>
module attributes {stable_mosaic.version = 14 : i64} {
  func.func @new_body(%arg0: i32, %arg1: i32, %arg2: memref<32xi32, #tpu.memory_space<hbm>>, %arg3: memref<4096x128xf32, #tpu.memory_space<hbm>>, %arg4: memref<4096x128xf32, #tpu.memory_space<hbm>>, %arg5: memref<262144x128xf32, #tpu.memory_space<hbm>>, %arg6: memref<262144x128xf32, #tpu.memory_space<hbm>>, %arg7: memref<262144x128xf32, #tpu.memory_space<hbm>>, %arg8: memref<262144x128xf32, #tpu.memory_space<hbm>>, %arg9: memref<32xi32, #tpu.memory_space<vmem>>, %arg10: memref<128xi32, #tpu.memory_space<vmem>>, %arg11: memref<128x128xf32, #tpu.memory_space<vmem>>, %arg12: memref<128x128xf32, #tpu.memory_space<vmem>>, %arg13: memref<!tpu.dma_semaphore, #tpu.memory_space<semaphore_mem>>, %arg14: memref<!tpu.dma_semaphore, #tpu.memory_space<semaphore_mem>>) attributes {dimension_semantics = [#tpu.dimension_semantics<core_parallel>, #tpu.dimension_semantics<subcore_parallel>], iteration_bounds = array<i64: 2, 16>, scalar_prefetch = 0 : i64, scratch_operands = 6 : i64, tpu.core_type = #tpu.core_type<sc_vector_subcore>, window_params = [{transform_indices = #map}, {transform_indices = #map1}, {transform_indices = #map1}, {transform_indices = #map1}, {transform_indices = #map1}, {transform_indices = #map1}, {transform_indices = #map1}]} {
    %mul3A = arith.constant 2 : i32
    %mul3A_0 = arith.muli %arg1, %mul3A : i32
    %add3A = arith.addi %mul3A_0, %arg0 : i32
    %mul3A_1 = arith.constant 128 : i32
    %mul3A_2 = arith.muli %add3A, %mul3A_1 : i32
    %dma_start3A = arith.constant 0 : i32
    %dma_start3A_3 = tpu.memref_slice %arg3[%mul3A_2, %dma_start3A] : memref<4096x128xf32, #tpu.memory_space<hbm>> -> memref<128x128xf32, #tpu.memory_space<hbm>>
    %dma_start3A_4 = arith.constant 0 : i32
    %dma_start3A_5 = tpu.memref_slice %arg3[%mul3A_2, %dma_start3A_4] : memref<4096x128xf32, #tpu.memory_space<hbm>> -> memref<128x128xf32, #tpu.memory_space<hbm>>
    tpu.enqueue_dma source(%dma_start3A_5 : memref<128x128xf32, #tpu.memory_space<hbm>>) target(%arg11 : memref<128x128xf32, #tpu.memory_space<vmem>>) target_semaphore(%arg13 : memref<!tpu.dma_semaphore, #tpu.memory_space<semaphore_mem>>)
    %dma_start3A_6 = arith.constant 0 : i32
    %dma_start3A_7 = tpu.memref_slice %arg4[%mul3A_2, %dma_start3A_6] : memref<4096x128xf32, #tpu.memory_space<hbm>> -> memref<128x128xf32, #tpu.memory_space<hbm>>
    %dma_start3A_8 = arith.constant 0 : i32
    %dma_start3A_9 = tpu.memref_slice %arg4[%mul3A_2, %dma_start3A_8] : memref<4096x128xf32, #tpu.memory_space<hbm>> -> memref<128x128xf32, #tpu.memory_space<hbm>>
    tpu.enqueue_dma source(%dma_start3A_9 : memref<128x128xf32, #tpu.memory_space<hbm>>) target(%arg12 : memref<128x128xf32, #tpu.memory_space<vmem>>) target_semaphore(%arg14 : memref<!tpu.dma_semaphore, #tpu.memory_space<semaphore_mem>>)
    "tpu.region"() ({
      %run_scoped3A = tpu.sem_alloc : memref<!tpu.dma_semaphore, #tpu.memory_space<semaphore_mem>>
      tpu.enqueue_dma source(%arg2 : memref<32xi32, #tpu.memory_space<hbm>>) target(%arg9 : memref<32xi32, #tpu.memory_space<vmem>>) target_semaphore(%run_scoped3A : memref<!tpu.dma_semaphore, #tpu.memory_space<semaphore_mem>>)
      tpu.wait_dma2 semaphore(%run_scoped3A : memref<!tpu.dma_semaphore, #tpu.memory_space<semaphore_mem>>) src(%arg2 : memref<32xi32, #tpu.memory_space<hbm>>) dst(%arg9 : memref<32xi32, #tpu.memory_space<vmem>>)
      tpu.yield
    }) : () -> ()
    %mul3A_10 = arith.constant 4 : i32
    %mul3A_11 = arith.muli %add3A, %mul3A_10 : i32
    %add3A_12 = arith.constant 0 : i32
    %add3A_13 = arith.addi %mul3A_11, %add3A_12 : i32
    %get3A = arith.constant 0 : index
    %get3A_14 = tpu.vector_load %arg9[%get3A] {strides = array<i32>} : memref<32xi32, #tpu.memory_space<vmem>>, vector<16xi32>,
    %get3A_15 = vector.shape_cast %get3A_14 : vector<16xi32> to vector<16xi32>
    %mul3A_16 = arith.constant 2048 : i32
    %mul3A_17 = arith.muli %add3A_13, %mul3A_16 : i32
    %add3A_18 = vector.broadcast %mul3A_17 : i32 to vector<16xi32>
    %add3A_19 = arith.addi %get3A_15, %add3A_18 : vector<16xi32>
    %swap3A = arith.constant 0 : index
    %swap3A_20 = tpu.vector_load %arg10[%swap3A] {strides = array<i32>} : memref<128xi32, #tpu.memory_space<vmem>>, vector<16xi32>,
    %swap3A_21 = vector.shape_cast %swap3A_20 : vector<16xi32> to vector<16xi32>
    %swap3A_22 = vector.shape_cast %add3A_19 : vector<16xi32> to vector<16xi32>
    tpu.vector_store %arg10[%swap3A], %swap3A_22 {strides = array<i32>} : memref<128xi32, #tpu.memory_space<vmem>>, vector<16xi32>,
    %mul3A_23 = arith.constant 4 : i32
    %mul3A_24 = arith.muli %add3A, %mul3A_23 : i32
    %add3A_25 = arith.constant 0 : i32
    %add3A_26 = arith.addi %mul3A_24, %add3A_25 : i32
    %get3A_27 = arith.constant 16 : index
    %get3A_28 = tpu.vector_load %arg9[%get3A_27] {strides = array<i32>} : memref<32xi32, #tpu.memory_space<vmem>>, vector<16xi32>,
    %get3A_29 = vector.shape_cast %get3A_28 : vector<16xi32> to vector<16xi32>
    %mul3A_30 = arith.constant 2048 : i32
    %mul3A_31 = arith.muli %add3A_26, %mul3A_30 : i32
    %add3A_32 = vector.broadcast %mul3A_31 : i32 to vector<16xi32>
    %add3A_33 = arith.addi %get3A_29, %add3A_32 : vector<16xi32>
    %swap3A_34 = arith.constant 16 : index
    %swap3A_35 = tpu.vector_load %arg10[%swap3A_34] {strides = array<i32>} : memref<128xi32, #tpu.memory_space<vmem>>, vector<16xi32>,
    %swap3A_36 = vector.shape_cast %swap3A_35 : vector<16xi32> to vector<16xi32>
    %swap3A_37 = vector.shape_cast %add3A_33 : vector<16xi32> to vector<16xi32>
    tpu.vector_store %arg10[%swap3A_34], %swap3A_37 {strides = array<i32>} : memref<128xi32, #tpu.memory_space<vmem>>, vector<16xi32>,
    %mul3A_38 = arith.constant 4 : i32
    %mul3A_39 = arith.muli %add3A, %mul3A_38 : i32
    %add3A_40 = arith.constant 1 : i32
    %add3A_41 = arith.addi %mul3A_39, %add3A_40 : i32
    %get3A_42 = arith.constant 0 : index
    %get3A_43 = tpu.vector_load %arg9[%get3A_42] {strides = array<i32>} : memref<32xi32, #tpu.memory_space<vmem>>, vector<16xi32>,
    %get3A_44 = vector.shape_cast %get3A_43 : vector<16xi32> to vector<16xi32>
    %mul3A_45 = arith.constant 2048 : i32
    %mul3A_46 = arith.muli %add3A_41, %mul3A_45 : i32
    %add3A_47 = vector.broadcast %mul3A_46 : i32 to vector<16xi32>
    %add3A_48 = arith.addi %get3A_44, %add3A_47 : vector<16xi32>
    %swap3A_49 = arith.constant 32 : index
    %swap3A_50 = tpu.vector_load %arg10[%swap3A_49] {strides = array<i32>} : memref<128xi32, #tpu.memory_space<vmem>>, vector<16xi32>,
    %swap3A_51 = vector.shape_cast %swap3A_50 : vector<16xi32> to vector<16xi32>
    %swap3A_52 = vector.shape_cast %add3A_48 : vector<16xi32> to vector<16xi32>
    tpu.vector_store %arg10[%swap3A_49], %swap3A_52 {strides = array<i32>} : memref<128xi32, #tpu.memory_space<vmem>>, vector<16xi32>,
    %mul3A_53 = arith.constant 4 : i32
    %mul3A_54 = arith.muli %add3A, %mul3A_53 : i32
    %add3A_55 = arith.constant 1 : i32
    %add3A_56 = arith.addi %mul3A_54, %add3A_55 : i32
    %get3A_57 = arith.constant 16 : index
    %get3A_58 = tpu.vector_load %arg9[%get3A_57] {strides = array<i32>} : memref<32xi32, #tpu.memory_space<vmem>>, vector<16xi32>,
    %get3A_59 = vector.shape_cast %get3A_58 : vector<16xi32> to vector<16xi32>
    %mul3A_60 = arith.constant 2048 : i32
    %mul3A_61 = arith.muli %add3A_56, %mul3A_60 : i32
    %add3A_62 = vector.broadcast %mul3A_61 : i32 to vector<16xi32>
    %add3A_63 = arith.addi %get3A_59, %add3A_62 : vector<16xi32>
    %swap3A_64 = arith.constant 48 : index
    %swap3A_65 = tpu.vector_load %arg10[%swap3A_64] {strides = array<i32>} : memref<128xi32, #tpu.memory_space<vmem>>, vector<16xi32>,
    %swap3A_66 = vector.shape_cast %swap3A_65 : vector<16xi32> to vector<16xi32>
    %swap3A_67 = vector.shape_cast %add3A_63 : vector<16xi32> to vector<16xi32>
    tpu.vector_store %arg10[%swap3A_64], %swap3A_67 {strides = array<i32>} : memref<128xi32, #tpu.memory_space<vmem>>, vector<16xi32>,
    %mul3A_68 = arith.constant 4 : i32
    %mul3A_69 = arith.muli %add3A, %mul3A_68 : i32
    %add3A_70 = arith.constant 2 : i32
    %add3A_71 = arith.addi %mul3A_69, %add3A_70 : i32
    %get3A_72 = arith.constant 0 : index
    %get3A_73 = tpu.vector_load %arg9[%get3A_72] {strides = array<i32>} : memref<32xi32, #tpu.memory_space<vmem>>, vector<16xi32>,
    %get3A_74 = vector.shape_cast %get3A_73 : vector<16xi32> to vector<16xi32>
    %mul3A_75 = arith.constant 2048 : i32
    %mul3A_76 = arith.muli %add3A_71, %mul3A_75 : i32
    %add3A_77 = vector.broadcast %mul3A_76 : i32 to vector<16xi32>
    %add3A_78 = arith.addi %get3A_74, %add3A_77 : vector<16xi32>
    %swap3A_79 = arith.constant 64 : index
    %swap3A_80 = tpu.vector_load %arg10[%swap3A_79] {strides = array<i32>} : memref<128xi32, #tpu.memory_space<vmem>>, vector<16xi32>,
    %swap3A_81 = vector.shape_cast %swap3A_80 : vector<16xi32> to vector<16xi32>
    %swap3A_82 = vector.shape_cast %add3A_78 : vector<16xi32> to vector<16xi32>
    tpu.vector_store %arg10[%swap3A_79], %swap3A_82 {strides = array<i32>} : memref<128xi32, #tpu.memory_space<vmem>>, vector<16xi32>,
    %mul3A_83 = arith.constant 4 : i32
    %mul3A_84 = arith.muli %add3A, %mul3A_83 : i32
    %add3A_85 = arith.constant 2 : i32
    %add3A_86 = arith.addi %mul3A_84, %add3A_85 : i32
    %get3A_87 = arith.constant 16 : index
    %get3A_88 = tpu.vector_load %arg9[%get3A_87] {strides = array<i32>} : memref<32xi32, #tpu.memory_space<vmem>>, vector<16xi32>,
    %get3A_89 = vector.shape_cast %get3A_88 : vector<16xi32> to vector<16xi32>
    %mul3A_90 = arith.constant 2048 : i32
    %mul3A_91 = arith.muli %add3A_86, %mul3A_90 : i32
    %add3A_92 = vector.broadcast %mul3A_91 : i32 to vector<16xi32>
    %add3A_93 = arith.addi %get3A_89, %add3A_92 : vector<16xi32>
    %swap3A_94 = arith.constant 80 : index
    %swap3A_95 = tpu.vector_load %arg10[%swap3A_94] {strides = array<i32>} : memref<128xi32, #tpu.memory_space<vmem>>, vector<16xi32>,
    %swap3A_96 = vector.shape_cast %swap3A_95 : vector<16xi32> to vector<16xi32>
    %swap3A_97 = vector.shape_cast %add3A_93 : vector<16xi32> to vector<16xi32>
    tpu.vector_store %arg10[%swap3A_94], %swap3A_97 {strides = array<i32>} : memref<128xi32, #tpu.memory_space<vmem>>, vector<16xi32>,
    %mul3A_98 = arith.constant 4 : i32
    %mul3A_99 = arith.muli %add3A, %mul3A_98 : i32
    %add3A_100 = arith.constant 3 : i32
    %add3A_101 = arith.addi %mul3A_99, %add3A_100 : i32
    %get3A_102 = arith.constant 0 : index
    %get3A_103 = tpu.vector_load %arg9[%get3A_102] {strides = array<i32>} : memref<32xi32, #tpu.memory_space<vmem>>, vector<16xi32>,
    %get3A_104 = vector.shape_cast %get3A_103 : vector<16xi32> to vector<16xi32>
    %mul3A_105 = arith.constant 2048 : i32
    %mul3A_106 = arith.muli %add3A_101, %mul3A_105 : i32
    %add3A_107 = vector.broadcast %mul3A_106 : i32 to vector<16xi32>
    %add3A_108 = arith.addi %get3A_104, %add3A_107 : vector<16xi32>
    %swap3A_109 = arith.constant 96 : index
    %swap3A_110 = tpu.vector_load %arg10[%swap3A_109] {strides = array<i32>} : memref<128xi32, #tpu.memory_space<vmem>>, vector<16xi32>,
    %swap3A_111 = vector.shape_cast %swap3A_110 : vector<16xi32> to vector<16xi32>
    %swap3A_112 = vector.shape_cast %add3A_108 : vector<16xi32> to vector<16xi32>
    tpu.vector_store %arg10[%swap3A_109], %swap3A_112 {strides = array<i32>} : memref<128xi32, #tpu.memory_space<vmem>>, vector<16xi32>,
    %mul3A_113 = arith.constant 4 : i32
    %mul3A_114 = arith.muli %add3A, %mul3A_113 : i32
    %add3A_115 = arith.constant 3 : i32
    %add3A_116 = arith.addi %mul3A_114, %add3A_115 : i32
    %get3A_117 = arith.constant 16 : index
    %get3A_118 = tpu.vector_load %arg9[%get3A_117] {strides = array<i32>} : memref<32xi32, #tpu.memory_space<vmem>>, vector<16xi32>,
    %get3A_119 = vector.shape_cast %get3A_118 : vector<16xi32> to vector<16xi32>
    %mul3A_120 = arith.constant 2048 : i32
    %mul3A_121 = arith.muli %add3A_116, %mul3A_120 : i32
    %add3A_122 = vector.broadcast %mul3A_121 : i32 to vector<16xi32>
    %add3A_123 = arith.addi %get3A_119, %add3A_122 : vector<16xi32>
    %swap3A_124 = arith.constant 112 : index
    %swap3A_125 = tpu.vector_load %arg10[%swap3A_124] {strides = array<i32>} : memref<128xi32, #tpu.memory_space<vmem>>, vector<16xi32>,
    %swap3A_126 = vector.shape_cast %swap3A_125 : vector<16xi32> to vector<16xi32>
    %swap3A_127 = vector.shape_cast %add3A_123 : vector<16xi32> to vector<16xi32>
    tpu.vector_store %arg10[%swap3A_124], %swap3A_127 {strides = array<i32>} : memref<128xi32, #tpu.memory_space<vmem>>, vector<16xi32>,
    %dma_wait3A = arith.constant 0 : i32
    %dma_wait3A_128 = tpu.memref_slice %arg3[%mul3A_2, %dma_wait3A] : memref<4096x128xf32, #tpu.memory_space<hbm>> -> memref<128x128xf32, #tpu.memory_space<hbm>>
    %dma_wait3A_129 = arith.constant 0 : i32
    %dma_wait3A_130 = tpu.memref_slice %arg3[%mul3A_2, %dma_wait3A_129] : memref<4096x128xf32, #tpu.memory_space<hbm>> -> memref<128x128xf32, #tpu.memory_space<hbm>>
    tpu.wait_dma2 semaphore(%arg13 : memref<!tpu.dma_semaphore, #tpu.memory_space<semaphore_mem>>) src(%dma_wait3A_130 : memref<128x128xf32, #tpu.memory_space<hbm>>) dst(%arg11 : memref<128x128xf32, #tpu.memory_space<vmem>>)
    %dma_start3A_131 = arith.constant 0 : i32
    %dma_start3A_132 = arith.constant 0 : i32
    %dma_start3A_133 = tpu.memref_slice %arg5[%dma_start3A_131, %dma_start3A_132] : memref<262144x128xf32, #tpu.memory_space<hbm>> -> memref<262144x128xf32, #tpu.memory_space<hbm>>
    tpu.enqueue_indirect_dma source(%arg11 : memref<128x128xf32, #tpu.memory_space<vmem>>) target(%dma_start3A_133 : memref<262144x128xf32, #tpu.memory_space<hbm>>) offsets(%arg10 : memref<128xi32, #tpu.memory_space<vmem>>) semaphore(%arg13 : memref<!tpu.dma_semaphore, #tpu.memory_space<semaphore_mem>>)
    %dma_wait3A_134 = arith.constant 0 : i32
    %dma_wait3A_135 = tpu.memref_slice %arg4[%mul3A_2, %dma_wait3A_134] : memref<4096x128xf32, #tpu.memory_space<hbm>> -> memref<128x128xf32, #tpu.memory_space<hbm>>
    %dma_wait3A_136 = arith.constant 0 : i32
    %dma_wait3A_137 = tpu.memref_slice %arg4[%mul3A_2, %dma_wait3A_136] : memref<4096x128xf32, #tpu.memory_space<hbm>> -> memref<128x128xf32, #tpu.memory_space<hbm>>
    tpu.wait_dma2 semaphore(%arg14 : memref<!tpu.dma_semaphore, #tpu.memory_space<semaphore_mem>>) src(%dma_wait3A_137 : memref<128x128xf32, #tpu.memory_space<hbm>>) dst(%arg12 : memref<128x128xf32, #tpu.memory_space<vmem>>)
    %dma_start3A_138 = arith.constant 0 : i32
    %dma_start3A_139 = arith.constant 0 : i32
    %dma_start3A_140 = tpu.memref_slice %arg6[%dma_start3A_138, %dma_start3A_139] : memref<262144x128xf32, #tpu.memory_space<hbm>> -> memref<262144x128xf32, #tpu.memory_space<hbm>>
    tpu.enqueue_indirect_dma source(%arg12 : memref<128x128xf32, #tpu.memory_space<vmem>>) target(%dma_start3A_140 : memref<262144x128xf32, #tpu.memory_space<hbm>>) offsets(%arg10 : memref<128xi32, #tpu.memory_space<vmem>>) semaphore(%arg14 : memref<!tpu.dma_semaphore, #tpu.memory_space<semaphore_mem>>)
    %dma_wait3A_141 = arith.constant 0 : i32
    %dma_wait3A_142 = arith.constant 0 : i32
    %dma_wait3A_143 = tpu.memref_slice %arg5[%dma_wait3A_141, %dma_wait3A_142] : memref<262144x128xf32, #tpu.memory_space<hbm>> -> memref<262144x128xf32, #tpu.memory_space<hbm>>
    tpu.wait_indirect_dma semaphore(%arg13 : memref<!tpu.dma_semaphore, #tpu.memory_space<semaphore_mem>>) src(%arg11 : memref<128x128xf32, #tpu.memory_space<vmem>>) dst(%dma_wait3A_143 : memref<262144x128xf32, #tpu.memory_space<hbm>>)
    %dma_wait3A_144 = arith.constant 0 : i32
    %dma_wait3A_145 = arith.constant 0 : i32
    %dma_wait3A_146 = tpu.memref_slice %arg6[%dma_wait3A_144, %dma_wait3A_145] : memref<262144x128xf32, #tpu.memory_space<hbm>> -> memref<262144x128xf32, #tpu.memory_space<hbm>>
    tpu.wait_indirect_dma semaphore(%arg14 : memref<!tpu.dma_semaphore, #tpu.memory_space<semaphore_mem>>) src(%arg12 : memref<128x128xf32, #tpu.memory_space<vmem>>) dst(%dma_wait3A_146 : memref<262144x128xf32, #tpu.memory_space<hbm>>)
    return
  }
}

</mosaic_0001>

<sc_bundles>
// kernel: kernel.3.cloned.1.call-start
scs
__scs_entry_jumppad:
0x0: {  	(pc) =	sbr.rel $0x88, $3  }
0x1: {  	(tag) =	ssettag $0x0;
	lr =	simm.s32 $0x1  }
0x2: {  	[smem:$0x3F9C] =	sst lr;
	_ =	strace $0xD0000000  }
0x3: {  	_ = 	snop  }
0x4: {  	_ = 	snop  }
0x5: {  	_ = 	snop  }
0x6: {  	_ = 	snop  }
0x7: {  	_ = 	snop  }
__scs_overlays_trampoline_lowered:
0x8: {  	[smem:$0x3FAB] =	sst s0  }
0x9: {  	[smem:$0x3FAC] =	sst s1  }
0xa: {  	[smem:$0x3FAD] =	sst s2  }
0xb: {  	[smem:$0x3FAE] =	sst s3  }
0xc: {  	[smem:$0x3FAF] =	sst s4  }
0xd: {  	[smem:$0x3FB0] =	sst s5  }
0xe: {  	[smem:$0x3FB1] =	sst s6  }
0xf: {  	[smem:$0x3FB2] =	sst s7  }
0x10: {  	[smem:$0x3FB3] =	sst s8  }
0x11: {  	[smem:$0x3FB4] =	sst s9;
	s0 =	simm.s32 @!p0 $0x0  }
0x12: {  	s1 =	sld [smem:$0x3F9A];
	s0 =	simm.s32 @p0 $0x1  }
0x13: {  	[smem:$0x3FB5] =	sst s0;
	s0 =	simm.s32 @!p1 $0x0  }
0x14: {  	s2 =	sld [smem:$0x3F99];
	s0 =	simm.s32 @p1 $0x1  }
0x15: {  	[smem:$0x3FB6] =	sst s0;
	s0 =	simm.s32 @!p2 $0x0  }
0x16: {  	s3 =	sld [smem:$0x3FDB];
	s0 =	simm.s32 @p2 $0x1  }
0x17: {  	s4 =	simm.s32 $0x1BF5;
	[smem:$0x3FB8] =	sst s0  }
0x18: {  	s0 =	sld [smem:$0x3F9B];
	_ =	swait.ge [sflag:s4], $0x0  }
0x19: {  	s7 =	sld [smem:$0x3F9C]  }
0x1a: {  	s8 =	sadd.s32 $0xFFFFE003, lr  }
0x1b: {  	s9 =	sadd.s32 $0xFFFFFEF7, lr;
	s5 =	simm.s32 $0xFFFFFFFF;
	p2 =	slt.u32 s8, $0xFFFFF086  }
0x1c: {  	p1 =	slt.u32 s9, $0xF7A;
	s5 =	simm.s32 @!p2 $0x0  }
0x1d: {  	s5 =	simm.s32 @p1 $0x1;
	p0 =	seq.s32 s7, s2  }
0x1e: {  	s7 =	smul.u32 @!p0 $0xF7A, s2;
	p2 =	seq.s32 @!p0 s5, $0x0  }
0x1f: {  	s9 =	smul.u32 $0xF7A, s1;
	s8 =	simm.s32 @!p0 $0x1BF5;
	p2 =	por !p2, p0  }
0x20: {  	[sflag:s8] =	ssyncset.s32 @!p0 $0xFFFFF086;
	s6 =	sadd.s32 @!p0 s3, s7;
	s7 =	simm.s32 @!p0 $0x108  }
0x21: {  	s3 =	sadd.s32 s3, s9;
	s6 =	sadd.s32 @!p0 $0x88, s6;
	s7 =	simm.s32 @p2 $0x1082  }
0x22: {  	[simem:s7], [sflag:s8] =	dma.local @!p0 [hbm:s6], $0xF7A  }
0x23: {  	s9 =	sor.u32 $0xD0000000, s2;
	s6 =	simm.s32 $0x108;
	_ =	swait.ge @!p0 [sflag:s8], $0x0  }
0x24: {  	s3 =	sadd.s32 $0x88, s3;
	s6 =	simm.s32 @!p1 $0x1082;
	[sflag:s4] =	ssyncset.s32 $0xFFFFF086  }
0x25: {  	[simem:s6], [sflag:s4] =	dma.local [hbm:s3], $0xF7A  }
0x26: {  	[smem:$0x3F9C] =	sst s1;
	(tag) =	ssettag s2;
	_ =	strace s9  }
0x27: {  	s1 =	sld [smem:$0x3FAC]  }
0x28: {  	s2 =	sld [smem:$0x3FAD]  }
0x29: {  	s4 =	sld [smem:$0x3FAF]  }
0x2a: {  	p0 =	seq.s32 s5, $0x0;
	s5 =	sld [smem:$0x3FB0]  }
0x2b: {  	s6 =	sld [smem:$0x3FB1]  }
0x2c: {  	s7 =	sld [smem:$0x3FB2]  }
0x2d: {  	s3 =	simm.s32 $0x108;
	s8 =	sld [smem:$0x3FB3]  }
0x2e: {  	s3 =	simm.s32 @!p0 $0x1082;
	s9 =	sld [smem:$0x3FB4]  }
0x2f: {  	lr =	sadd.s32 s0, s3;
	s0 =	sld [smem:$0x3FAB]  }
0x30: {  	s3 =	sld [smem:$0x3FAE]  }
0x31: {  	[smem:$0x3FB7] =	sst s10  }
0x32: {  	s10 =	sld [smem:$0x3FB5];
	_ =	sdelay $0x3  }
0x33: {  	p0 =	seq.s32 s10, $0x1;
	s10 =	sld [smem:$0x3FB7];
	_ =	sdelay $0x3  }
0x34: {  	[smem:$0x3FB7] =	sst s10  }
0x35: {  	s10 =	sld [smem:$0x3FB6];
	_ =	sdelay $0x3  }
0x36: {  	p1 =	seq.s32 s10, $0x1;
	s10 =	sld [smem:$0x3FB7];
	_ =	sdelay $0x3  }
0x37: {  	[smem:$0x3FB7] =	sst s10  }
0x38: {  	s10 =	sld [smem:$0x3FB8]  }
0x39: {  	_ = 	snop;
	(pc) =	sbr.ind lr, $3  }
0x3a: {  	_ = 	snop  }
0x3b: {  	_ = 	snop  }
0x3c: {  	p2 =	seq.s32 s10, $0x1;
	s10 =	sld [smem:$0x3FB7]  }
0x3d: {  	_ =	shalt  }
0x3e: {  	_ =	shalt  }
0x3f: {  	_ =	shalt  }
0x40: {  	_ =	shalt  }
0x41: {  	_ =	shalt  }
0x42: {  	_ =	shalt  }
0x43: {  	_ =	shalt  }
0x44: {  	_ =	shalt  }
0x45: {  	_ =	shalt  }
0x46: {  	_ =	shalt  }
0x47: {  	_ =	shalt  }
0x48: {  	_ =	shalt  }
0x49: {  	_ =	shalt  }
0x4a: {  	_ =	shalt  }
0x4b: {  	_ =	shalt  }
0x4c: {  	_ =	shalt  }
0x4d: {  	_ =	shalt  }
0x4e: {  	_ =	shalt  }
0x4f: {  	_ =	shalt  }
0x50: {  	_ =	shalt  }
0x51: {  	_ =	shalt  }
0x52: {  	_ =	shalt  }
0x53: {  	_ =	shalt  }
0x54: {  	_ =	shalt  }
0x55: {  	_ =	shalt  }
0x56: {  	_ =	shalt  }
0x57: {  	_ =	shalt  }
0x58: {  	_ =	shalt  }
0x59: {  	_ =	shalt  }
0x5a: {  	_ =	shalt  }
0x5b: {  	_ =	shalt  }
0x5c: {  	_ =	shalt  }
0x5d: {  	_ =	shalt  }
0x5e: {  	_ =	shalt  }
0x5f: {  	_ =	shalt  }
0x60: {  	_ =	shalt  }
0x61: {  	_ =	shalt  }
0x62: {  	_ =	shalt  }
0x63: {  	_ =	shalt  }
0x64: {  	_ =	shalt  }
0x65: {  	_ =	shalt  }
0x66: {  	_ =	shalt  }
0x67: {  	_ =	shalt  }
0x68: {  	_ =	shalt  }
0x69: {  	_ =	shalt  }
0x6a: {  	_ =	shalt  }
0x6b: {  	_ =	shalt  }
0x6c: {  	_ =	shalt  }
0x6d: {  	_ =	shalt  }
0x6e: {  	_ =	shalt  }
0x6f: {  	_ =	shalt  }
0x70: {  	_ =	shalt  }
0x71: {  	_ =	shalt  }
0x72: {  	_ =	shalt  }
0x73: {  	_ =	shalt  }
0x74: {  	_ =	shalt  }
0x75: {  	_ =	shalt  }
0x76: {  	_ =	shalt  }
0x77: {  	_ =	shalt  }
0x78: {  	_ =	shalt  }
0x79: {  	_ =	shalt  }
0x7a: {  	_ =	shalt  }
0x7b: {  	_ =	shalt  }
0x7c: {  	_ =	shalt  }
0x7d: {  	_ =	shalt  }
0x7e: {  	_ =	shalt  }
0x7f: {  	_ =	shalt  }
0x80: {  	_ =	shalt  }
0x81: {  	_ =	shalt  }
0x82: {  	_ =	shalt  }
0x83: {  	_ =	shalt  }
0x84: {  	_ =	shalt  }
0x85: {  	_ =	shalt  }
0x86: {  	_ =	shalt  }
0x87: {  	_ =	shalt  }
.Lfunc_end0:
.L_simem_size_0:
called_computation_lowered:
.L_overlay_start_0:
0x88: {  	s2 =	sld [smem:$0x3FD9]  }
0x89: {  	s3 =	sld [smem:$0x3FFE];
	_ =	sdelay $0x1  }
0x8a: {  	s1 =	srdreg.scid  }
0x8b: {  	s0 =	sand.u32 $0x1, s1  }
0x8c: {  	s15 =	sshll.u32 s0, $0xA;
	s2 =	sadd.s32 s3, s2  }
0x8d: {  	s2 =	sadd.s32 s2, s15  }
0x8e: {  	[smem:$0x3FC3] =	sst s2  }
0x8f: {  	_ = 	snop  }
0x90: {  	s2 =	sld [smem:$0x3FD0]  }
0x91: {  	s16 =	sld [smem:$0x3FC9]  }
0x92: {  	s4 =	sld [smem:$0x3FC8]  }
0x93: {  	s6 =	simm.s32 $0xA;
	s7 =	simm.s32 $0x10;
	s5 =	sld [smem:$0x3FC7]  }
0x94: {  	[smem:s7], [sflag:s6] =	dma.local [hbm:s2], $0x1  }
0x95: {  	_ =	swait.eq [sflag:s6], $0x1  }
0x96: {  	[sflag:s6] =	ssyncset.done $0x0  }
0x97: {  	s17 =	sld [smem:$0x10];
	[sflag:s6] =	ssyncadd.s32 $0xFFFFFFFF  }
0x98: {  	s18 =	sld [smem:$0x11];
	(tm) =	ssettm $0x1  }
0x99: {  	s19 =	sld [smem:$0x3FFB];
	_ =	sdelay $0x3  }
0x9a: {  	_ =	strace s19  }
0x9b: {  	s7 =	sld [smem:$0x3FFC];
	_ =	sdelay $0x3  }
0x9c: {  	_ =	strace s7  }
0x9d: {  	s7 =	sld [smem:$0x3FFD];
	_ =	sdelay $0x3  }
0x9e: {  	_ =	strace s7  }
0x9f: {  	_ =	strace $0x8FFFFFFF  }
0xa0: {  	s20 =	sld [smem:$0x3FDB];
	_ =	sdelay $0x1  }
0xa1: {  	s8 =	simm.s32 $_scs_section_size  }
0xa2: {  	s9 =	simm.s32 $_size__tile_overlayer_lowered;
	s10 =	simm.s32 $_tile_overlayer_lowered  }
0xa3: {  	s23 =	simm.s32 $0x1BFF;
	s22 =	sshll.u32 s10, $0x1;
	s7 =	sadd.s32 s8, s20  }
0xa4: {  	s11 =	simm.s32 $0x0;
	s21 =	sshll.u32 s9, $0x1;
	s9 =	sadd.s32 s22, s7  }
0xa5: {  	[timem:s11], [sflag:s23] =	dma.local [hbm:s9], s21  }
0xa6: {  	_ =	swait.ge [sflag:s23], s21  }
0xa7: {  	s8 =	ssub.s32 $0x0, s21;
	[sflag:s23] =	ssyncset.done $0x0  }
0xa8: {  	[sflag:s23] =	ssyncadd.s32 s8;
	_ =	sdelay $0x1  }
0xa9: {  	s24 =	simm.s32 $0x1B8B  }
0xaa: {  	_ =	swait.ge [sflag:s24], $0x1  }
0xab: {  	[sflag:s24] =	ssyncset.done $0x0  }
0xac: {  	s25 =	simm.s32 $0x1B8E;
	[sflag:s24] =	ssyncadd.s32 $0xFFFFFFFF  }
0xad: {  	s26 =	simm.s32 $execute0_lowered;
	[smem:$0x3FD2] =	sst s25  }
0xae: {  	s8 =	sshll.u32 s26, $0x1;
	_ =	strace $0x80000046;
	[dreg:$0x1] =	wrdreg $0xFFFFFFFF  }
0xaf: {  	s28 =	simm.s32 $_size_execute0_lowered;
	s7 =	sadd.s32 s7, s8;
	[dreg:$0x0] =	wrdreg $0x0  }
0xb0: {  	s8 =	sshll.u32 s28, $0x1;
	[dreg:$0x2] =	wrdreg s7  }
0xb1: {  	[dreg:$0x3] =	wrdreg s8  }
0xb2: {  	[dreg:$0x4] =	wrdreg $0xC0  }
0xb3: {  	_ =	task [dreg:s11], $0x5FFFF  }
0xb4: {  	[dreg:$0x1] =	wrdreg $0xFFFFFFFF  }
0xb5: {  	[dreg:$0x0] =	wrdreg $0x60  }
0xb6: {  	[dreg:$0x2] =	wrdreg s16  }
0xb7: {  	[dreg:$0x3] =	wrdreg s4  }
0xb8: {  	[dreg:$0x4] =	wrdreg s5  }
0xb9: {  	[dreg:$0x5] =	wrdreg s17  }
0xba: {  	[dreg:$0x6] =	wrdreg s18  }
0xbb: {  	[dreg:$0x7] =	wrdreg $0x9  }
0xbc: {  	_ =	task.clear_ibuf [dreg:s11], $0x8FFFF;
	_ =	strace $0x90000046  }
0xbd: {  	s29 =	simm.s32 $0x9;
	_ =	strace $0x80000048  }
0xbe: {  	_ =	swait.ge [sflag:s29], $0x1  }
0xbf: {  	[sflag:s29] =	ssyncadd.s32 $0xFFFFFFFF  }
0xc0: {  	_ =	strace $0x90000048  }
0xc1: {  	_ =	sfence  }
0xc2: {  	s30 =	sld [smem:$0x0];
	_ =	sdelay $0x2  }
0xc3: {  	s31 =	sshll.u32 s1, $0xD;
	s1 =	sshrl.u32 s1, $0x2  }
0xc4: {  	s3 =	sand.u32 $0x4000, s31;
	s1 =	sadd.s32 s1, s30  }
0xc5: {  	s0 =	sor.u32 s3, s0;
	s1 =	sshll.u32 s1, $0x11  }
0xc6: {  	s0 =	sor.u32 s1, s0  }
0xc7: {  	s0 =	sadd.s32 $0x8F2B, s0  }
0xc8: {  	[sflag:s0] =	ssyncadd.remote.s32 $0x1  }
0xc9: {  	_ =	sfence.sel $0xFFFF  }
0xca: {  	[dreg:$0x0] =	wrdreg $0xFFFFFFFF;
	(pc) =	sbr.abs _section_cstart, $3  }
0xcb: {  	[dreg:$0x1] =	wrdreg $0xFFFFFFFF  }
0xcc: {  	_ =	task.clear_ibuf [dreg:s11], $0x2FFFF;
	_ =	strace $0x9FFFFFFF  }
0xcd: {  	(tm) =	ssettm $0x7FFFFFFF  }
tec
execute0_lowered:
.L_overlay_start_1:
0x0: {  	(tag) =	ssettag $0x1  }
0x1: {  	s2 =	rddreg [dreg:$0x0]  }
0x2: {  	s6 =	rddreg [dreg:$0x1]  }
0x3: {  	s8 =	rddreg [dreg:$0x2]  }
0x4: {  	s3 =	rddreg [dreg:$0x3]  }
0x5: {  	s1 =	srdreg.scid;
	s0 =	stileid.u32  }
0x6: {  	s4 =	rddreg [dreg:$0x4];
	s11 =	sand.u32 $0x1, s1;
	s7 =	sshll.u32 s0, $0x1  }
0x7: {  	s5 =	simm.s32 $0x0;
	s1 =	rddreg [dreg:$0x5];
	s12 =	sor.u32 s11, s7  }
0x8: {  	[smem:$0x7FF] =	sst s5;
	s9 =	sshll.u32 s12, $0xB  }
0x9: {  	_ =	strace $0x80000047;
	s7 =	simm.s32 $0x100;
	s6 =	sadd.s32 s6, s9  }
0xa: {  	[tilespmem:s7], [sflag:$0x1] =	stream.linear.gather [hbm4b:s6+s5], $0x4000, $0x38;
	[tilespmem:$0x8100] =	vst v63  }
0xb: {  	s9 =	sadd.s32 s8, s9;
	s8 =	simm.s32 $0x4100  }
0xc: {  	[tilespmem:s8], [sflag:$0x2] =	stream.linear.gather [hbm4b:s9+s5], $0x4000, $0x38;
	[tilespmem:$0x8100] =	vst v63  }
0xd: {  	s10 =	simm.s32 $0x3  }
0xe: {  	[tilespmem:s5], [sflag:$0x3] =	stream.linear.gather [hbm4b:s2+s5], $0x80, $0x38;
	[tilespmem:$0x8100] =	vst v63  }
0xf: {  	_ =	swait.ge [sflag:s10], $0x80  }
0x10: {  	[sflag:s10] =	ssyncset.done $0x0  }
0x11: {  	[sflag:s10] =	ssyncadd.s32 $0xFFFFFF80  }
0x12: {  	v2 =	vld [tilespmem:$0x10]  }
0x13: {  	v3 =	vld [tilespmem:$0x10]  }
0x14: {  	s12 =	sshll.u32 s12, $0xD;
	v4 =	vld [tilespmem:$0x10]  }
0x15: {  	s13 =	sor.u32 $0x1800, s12;
	v5 =	vld [tilespmem:$0x0]  }
0x16: {  	s14 =	sor.u32 $0x800, s12;
	v0 =	vmov s13;
	v6 =	vld [tilespmem:$0x0]  }
0x17: {  	s28 =	sor.u32 $0x1000, s12;
	v1 =	vmov s14;
	v7 =	vld [tilespmem:$0x10];
	v8 =	vadd.s32 v0, v2  }
0x18: {  	v63 =	vld [tilespmem:$0x0];
	v2 =	vmov s28;
	v3 =	vadd.s32 v1, v3;
	[tilespmem:$0xF0] =	vst v8  }
0x19: {  	v9 =	vld [tilespmem:$0x0];
	[tilespmem:$0xB0] =	vst v3;
	v3 =	vadd.s32 v2, v4  }
0x1a: {  	v4 =	vadd.s32 v0, v5;
	[tilespmem:$0xD0] =	vst v3  }
0x1b: {  	v5 =	vadd.s32 v1, v6;
	v3 =	vmov s12;
	[tilespmem:$0xE0] =	vst v4  }
0x1c: {  	s29 =	ssub.s32 $0x2, s11;
	[tilespmem:$0xA0] =	vst v5;
	v4 =	vadd.s32 v3, v7  }
0x1d: {  	s30 =	sshrl.u32 s29, $0x1;
	v5 =	vadd.s32 v3, v63;
	[tilespmem:$0x90] =	vst v4  }
0x1e: {  	s12 =	ssub.s32 s29, s30;
	v4 =	vadd.s32 v2, v9;
	[tilespmem:$0x80] =	vst v5  }
0x1f: {  	s11 =	simm.s32 $0x1;
	s31 =	smax.u32 s12, $0x1;
	[tilespmem:$0xC0] =	vst v4  }
0x20: {  	p0 =	sne.s32 s31, $0x1;
	_ =	swait.ge [sflag:s11], $0x4000  }
.Ltmp0:
0x21: {  	[sflag:s11] =	ssyncset.done $0x0;
	(pc) =	sbr.rel @!p0 .LBB2_2-.Ltmp0, $4  }
0x22: {  	s13 =	simm.s32 $0x80;
	s12 =	simm.s32 $0x2;
	[sflag:s11] =	ssyncadd.s32 $0xFFFFC000  }
0x23: {  	[hbm4b:s3+s13] =	stream.indirect.scatter [tilespmem:s7], [sflag:$0x1], $0x80, s13, s13, $0xb8;
	[tilespmem:$0x8100] =	vst v63  }
0x24: {  	_ =	swait.ge [sflag:s12], $0x4000  }
0x25: {  	s14 =	sadd.s32 $0xFFFFFFFF, s31;
	[sflag:s12] =	ssyncset.done $0x0  }
.LBB2_1:
0x26: {  	p0 =	sne.s32 s14, $0x1;
	s14 =	sadd.s32 $0xFFFFFFFF, s14;
	[sflag:s12] =	ssyncadd.s32 $0xFFFFC000  }
0x27: {  	[hbm4b:s4+s13] =	stream.indirect.scatter [tilespmem:s8], [sflag:$0x2], $0x80, s13, s13, $0xb8;
	[tilespmem:$0x8100] =	vst v63  }
0x28: {  	_ =	swait.ge [sflag:s11], $0x4000  }
0x29: {  	[sflag:s11] =	ssyncset.done $0x0  }
0x2a: {  	[sflag:s11] =	ssyncadd.s32 $0xFFFFC000  }
0x2b: {  	_ =	swait.ge [sflag:s12], $0x4000  }
0x2c: {  	[sflag:s12] =	ssyncset.done $0x0  }
0x2d: {  	[sflag:s12] =	ssyncadd.s32 $0xFFFFC000  }
0x2e: {  	[tilespmem:s7], [sflag:$0x1] =	stream.linear.gather [hbm4b:s6+s5], $0x4000, $0x38;
	[tilespmem:$0x8100] =	vst v63  }
0x2f: {  	_ = 	snop  }
0x30: {  	[tilespmem:s8], [sflag:$0x2] =	stream.linear.gather [hbm4b:s9+s5], $0x4000, $0x38;
	[tilespmem:$0x8100] =	vst v63  }
0x31: {  	_ = 	snop  }
0x32: {  	[tilespmem:s5], [sflag:$0x3] =	stream.linear.gather [hbm4b:s2+s5], $0x80, $0x38;
	[tilespmem:$0x8100] =	vst v63  }
0x33: {  	_ =	swait.ge [sflag:s10], $0x80  }
0x34: {  	[sflag:s10] =	ssyncset.done $0x0  }
0x35: {  	[sflag:s10] =	ssyncadd.s32 $0xFFFFFF80  }
0x36: {  	v4 =	vld [tilespmem:$0x10]  }
0x37: {  	v5 =	vld [tilespmem:$0x10]  }
0x38: {  	v6 =	vld [tilespmem:$0x10]  }
0x39: {  	v7 =	vld [tilespmem:$0x0]  }
0x3a: {  	v8 =	vld [tilespmem:$0x0]  }
0x3b: {  	v9 =	vld [tilespmem:$0x10];
	v4 =	vadd.s32 v0, v4  }
0x3c: {  	v5 =	vadd.s32 v1, v5;
	v10 =	vld [tilespmem:$0x0];
	[tilespmem:$0xF0] =	vst v4  }
0x3d: {  	v4 =	vld [tilespmem:$0x0];
	[tilespmem:$0xB0] =	vst v5;
	v5 =	vadd.s32 v2, v6  }
0x3e: {  	[tilespmem:$0xD0] =	vst v5;
	v5 =	vadd.s32 v0, v7  }
0x3f: {  	v6 =	vadd.s32 v1, v8;
	[tilespmem:$0xE0] =	vst v5  }
0x40: {  	v5 =	vadd.s32 v3, v9;
	[tilespmem:$0xA0] =	vst v6  }
0x41: {  	[tilespmem:$0x90] =	vst v5;
	v5 =	vadd.s32 v2, v10  }
0x42: {  	v4 =	vadd.s32 v3, v4;
	[tilespmem:$0xC0] =	vst v5  }
0x43: {  	[tilespmem:$0x80] =	vst v4  }
0x44: {  	_ =	swait.ge [sflag:s11], $0x4000  }
.Ltmp1:
0x45: {  	[sflag:s11] =	ssyncset.done $0x0;
	(pc) =	sbr.rel @p0 .LBB2_1-.Ltmp1, $4  }
0x46: {  	[sflag:s11] =	ssyncadd.s32 $0xFFFFC000  }
0x47: {  	[hbm4b:s3+s13] =	stream.indirect.scatter [tilespmem:s7], [sflag:$0x1], $0x80, s13, s13, $0xb8;
	[tilespmem:$0x8100] =	vst v63  }
0x48: {  	_ =	swait.ge [sflag:s12], $0x4000  }
0x49: {  	[sflag:s12] =	ssyncset.done $0x0  }
.LBB2_2:
0x4a: {  	[sflag:s12] =	ssyncadd.s32 $0xFFFFC000  }
0x4b: {  	[hbm4b:s4+s13] =	stream.indirect.scatter [tilespmem:s8], [sflag:$0x2], $0x80, s13, s13, $0xb8;
	[tilespmem:$0x8100] =	vst v63  }
0x4c: {  	_ =	swait.ge [sflag:s11], $0x4000  }
0x4d: {  	[sflag:s11] =	ssyncset.done $0x0  }
0x4e: {  	[sflag:s11] =	ssyncadd.s32 $0xFFFFC000  }
0x4f: {  	_ =	swait.ge [sflag:s12], $0x4000  }
0x50: {  	[sflag:s12] =	ssyncset.done $0x0  }
0x51: {  	[sflag:s12] =	ssyncadd.s32 $0xFFFFC000  }
0x52: {  	_ =	sfence.sel $0x180000  }
0x53: {  	[bflag:$0x0] =	sbarrier.arrive $0xFFFF  }
0x54: {  	p0 =	sne.s32 s0, $0x0;
	_ =	strace $0x90000047  }
0x55: {  	s0 =	sadd.s32 @!p0 $0x100000, s1;
	[bflag:$0x2] =	sbarrier.arrive $0xFFFF  }
0x56: {  	[sflag:s0] =	ssyncadd.tile.s32 @!p0 $0x1;
	_ =	shalt  }
.Lfunc_end2:
_tile_overlayer_lowered:
.L_overlay_start_2:
0x57: {  	(tag) =	ssettag $0x2  }
0x58: {  	s0 =	rddreg [dreg:$0x0];
	s2 =	stileid.u32  }
0x59: {  	s1 =	rddreg [dreg:$0x1];
	p0 =	sne.s32 s2, $0x0  }
0x5a: {  	s3 =	rddreg [dreg:$0x2];
	[bflag:$0x3] =	sbarrier.arrive $0xFFFF;
	s2 =	simm.s32 @!p0 $0x1C03  }
0x5b: {  	[timem:s3], [sflag:s2] =	dma.local @!p0 [hbm:s0], s1  }
0x5c: {  	s0 =	simm.s32 @!p0 $0x3  }
0x5d: {  	_ =	swait.ge @!p0 [sflag:s0], s1  }
0x5e: {  	s1 =	ssub.s32 @!p0 $0x0, s1;
	[sflag:s0] =	ssyncset.done @!p0 $0x0  }
0x5f: {  	[sflag:s0] =	ssyncadd.s32 @!p0 s1  }
0x60: {  	[bflag:$0x3] =	sbarrier.arrive $0xFFFF  }
0x61: {  	_ =	shalt  }

</sc_bundles>
